<compile_context>
chip_gen: v7x
topology: tpu7x:2x2x1
jax: 0.10.2.dev20260603
libtpu: 0.0.44.dev20260713+nightly
codegen_flags: <defaults>
</compile_context>

<pallas_src>
import functools

import jax
import jax.numpy as jnp
from jax import lax
from jax.experimental import pallas as pl
from jax.experimental.pallas import tpu as pltpu
from jax.experimental.pallas import tpu_sc as plsc

_NC = 2
_NS = 16
_NW = _NC * _NS
_D = 128
_CHUNK = 200


def _make_sc_gather(n_rows: int):
    rows_per_w = n_rows // _NW
    n_chunks = rows_per_w // _CHUNK
    n_quads = n_chunks // 4
    mesh = plsc.VectorSubcoreMesh(core_axis_name="c", subcore_axis_name="s")

    @functools.partial(
        pl.kernel,
        out_type=jax.ShapeDtypeStruct((n_rows, _D), jnp.float32),
        mesh=mesh,
        scratch_types=[
            pltpu.VMEM((rows_per_w,), jnp.int32),
            pltpu.VMEM((_CHUNK, _D), jnp.float32),
            pltpu.VMEM((_CHUNK, _D), jnp.float32),
            pltpu.VMEM((_CHUNK, _D), jnp.float32),
            pltpu.VMEM((_CHUNK, _D), jnp.float32),
            pltpu.SemaphoreType.DMA,
            pltpu.SemaphoreType.DMA,
            pltpu.SemaphoreType.DMA,
            pltpu.SemaphoreType.DMA,
            pltpu.SemaphoreType.DMA,
            pltpu.SemaphoreType.DMA,
            pltpu.SemaphoreType.DMA,
            pltpu.SemaphoreType.DMA,
        ],
    )
    def gather_kernel(ids_hbm, table_hbm, out_hbm, idx_v, b0, b1, b2, b3,
                      gs0, gs1, gs2, gs3, ws0, ws1, ws2, ws3):
        wid = lax.axis_index("s") * _NC + lax.axis_index("c")
        base = wid * rows_per_w
        pltpu.sync_copy(ids_hbm.at[pl.ds(base, rows_per_w)], idx_v)

        bufs = (b0, b1, b2, b3)
        gsems = (gs0, gs1, gs2, gs3)
        wsems = (ws0, ws1, ws2, ws3)

        def gather_start(g, j):
            pltpu.async_copy(
                table_hbm.at[idx_v.at[pl.ds(g * _CHUNK, _CHUNK)]],
                bufs[j], gsems[j])

        def gather_wait(j):
            pltpu.make_async_copy(
                table_hbm.at[idx_v.at[pl.ds(0, _CHUNK)]], bufs[j],
                gsems[j]).wait()

        def write_start(g, j):
            pltpu.async_copy(
                bufs[j], out_hbm.at[pl.ds(base + g * _CHUNK, _CHUNK)],
                wsems[j])

        def write_wait(j):
            pltpu.make_async_copy(
                bufs[j], out_hbm.at[pl.ds(base, _CHUNK)], wsems[j]).wait()

        gather_start(0, 0)
        gather_start(1, 1)

        def quad_body(q, carry):
            for j in range(4):
                g = 4 * q + j
                jn = (j + 2) % 4

                @pl.when(g >= 2)
                def _():
                    write_wait(jn)

                @pl.when(g + 2 < n_chunks)
                def _():
                    gather_start(g + 2, jn)

                gather_wait(j)
                write_start(g, j)
            return carry

        lax.fori_loop(0, n_quads, quad_body, 0)
        write_wait((n_chunks - 2) % 4)
        write_wait((n_chunks - 1) % 4)

    return gather_kernel


_ROWS_BLK = 12800
_SUB = 6400
_EPS = 1e-12


def _ln_body(x_ref, pos_ref, tt_ref, gamma_ref, beta_ref, o_ref):
    bias = pos_ref[...] + tt_ref[0][None, :]
    gamma_row = gamma_ref[0][None, None, :]
    beta_row = beta_ref[0][None, None, :]

    def sub_tile(i, carry):
        x = x_ref[pl.ds(i * _SUB, _SUB), :].reshape(_SUB // 200, 200, _D)
        h = x + bias[None]
        mean = jnp.mean(h, axis=-1, keepdims=True)
        c = h - mean
        var = jnp.mean(c * c, axis=-1, keepdims=True)
        normed = c * lax.rsqrt(var + _EPS)
        out = normed * gamma_row + beta_row
        o_ref[pl.ds(i * _SUB, _SUB), :] = out.reshape(_SUB, _D)
        return carry

    lax.fori_loop(0, _ROWS_BLK // _SUB, sub_tile, 0)


def _layernorm(gathered, W_pos_t, W_tt, gamma2d, beta2d):
    n_rows = gathered.shape[0]
    grid = (n_rows // _ROWS_BLK,)
    return pl.pallas_call(
        _ln_body,
        grid=grid,
        in_specs=[
            pl.BlockSpec((_ROWS_BLK, _D), lambda i: (i, 0)),
            pl.BlockSpec((200, _D), lambda i: (0, 0)),
            pl.BlockSpec((2, _D), lambda i: (0, 0)),
            pl.BlockSpec((1, _D), lambda i: (0, 0)),
            pl.BlockSpec((1, _D), lambda i: (0, 0)),
        ],
        out_specs=pl.BlockSpec((_ROWS_BLK, _D), lambda i: (i, 0)),
        out_shape=jax.ShapeDtypeStruct((n_rows, _D), jnp.float32),
    )(gathered, W_pos_t, W_tt, gamma2d, beta2d)


def kernel(input_ids, W_word, W_pos, W_tt, gamma, beta):
    B, T = input_ids.shape
    ids_flat = input_ids.reshape(-1).astype(jnp.int32)
    gathered = _make_sc_gather(B * T)(ids_flat, W_word)
    out = _layernorm(
        gathered,
        W_pos[:T],
        W_tt,
        gamma.reshape(1, _D),
        beta.reshape(1, _D),
    )
    return out.reshape(B, T, _D)

# --- scband reference (transcript-rebuilt; emitter-appended) ---
"""Pipeline reference for scband-bert-embeddings-84241488544277 (READ-ONLY COPY).

The authoritative reference and input builder live on the scoring server;
editing this copy changes nothing except your own understanding.
"""

import jax, jax.numpy as jnp
import numpy as np

VOCAB = 100000
N_EMBD = 128
BLOCK = 512
EPS = 1e-12
B, T = 1024, 200


def setup_inputs(seed: int = 0) -> dict:
    key = jax.random.key(seed)
    k1, k2, k3, k4 = jax.random.split(key, 4)
    input_ids = jax.random.randint(k1, (B, T), 0, VOCAB, dtype=jnp.int64 if jax.config.jax_enable_x64 else jnp.int32)
    W_word = jax.random.normal(k2, (VOCAB, N_EMBD), dtype=jnp.float32) * 0.02
    W_pos = jax.random.normal(k3, (BLOCK, N_EMBD), dtype=jnp.float32) * 0.02
    W_tt = jax.random.normal(k4, (2, N_EMBD), dtype=jnp.float32) * 0.02
    gamma = jnp.ones((N_EMBD,), dtype=jnp.float32)
    beta = jnp.zeros((N_EMBD,), dtype=jnp.float32)
    return {"input_ids": input_ids, "W_word": W_word, "W_pos": W_pos, "W_tt": W_tt, "gamma": gamma, "beta": beta}


def reference(input_ids, W_word, W_pos, W_tt, gamma, beta):
    T_ = input_ids.shape[1]
    position_ids = jnp.arange(T_)[None, :]
    token_type_ids = jnp.zeros_like(input_ids)
    token_embd = jnp.take(W_word, input_ids, axis=0)
    position_embd = jnp.take(W_pos, position_ids, axis=0)
    token_type_embd = jnp.take(W_tt, token_type_ids, axis=0)
    hidden = token_embd + position_embd + token_type_embd
    mean = jnp.mean(hidden, axis=-1, keepdims=True)
    var = jnp.var(hidden, axis=-1, keepdims=True)
    normed = (hidden - mean) / jnp.sqrt(var + EPS)
    out = normed * gamma + beta
    # dropout is identity in eval mode
    return out

if __name__ == "__main__":
    import jax
    _d = setup_inputs()
    print(jax.jit(kernel)(*tuple(_d.values())))

</pallas_src>

<mosaic_0001>
#map = affine_map<(d0, d1) -> (0)>
#map1 = affine_map<(d0, d1) -> (0, 0)>
module attributes {stable_mosaic.version = 14 : i64} {
  func.func @gather_kernel(%arg0: i32, %arg1: i32, %arg2: memref<204800xi32, #tpu.memory_space<hbm>>, %arg3: memref<100000x128xf32, #tpu.memory_space<hbm>>, %arg4: memref<204800x128xf32, #tpu.memory_space<hbm>>, %arg5: memref<6400xi32, #tpu.memory_space<vmem>>, %arg6: memref<200x128xf32, #tpu.memory_space<vmem>>, %arg7: memref<200x128xf32, #tpu.memory_space<vmem>>, %arg8: memref<200x128xf32, #tpu.memory_space<vmem>>, %arg9: memref<200x128xf32, #tpu.memory_space<vmem>>, %arg10: memref<!tpu.dma_semaphore, #tpu.memory_space<semaphore_mem>>, %arg11: memref<!tpu.dma_semaphore, #tpu.memory_space<semaphore_mem>>, %arg12: memref<!tpu.dma_semaphore, #tpu.memory_space<semaphore_mem>>, %arg13: memref<!tpu.dma_semaphore, #tpu.memory_space<semaphore_mem>>, %arg14: memref<!tpu.dma_semaphore, #tpu.memory_space<semaphore_mem>>, %arg15: memref<!tpu.dma_semaphore, #tpu.memory_space<semaphore_mem>>, %arg16: memref<!tpu.dma_semaphore, #tpu.memory_space<semaphore_mem>>, %arg17: memref<!tpu.dma_semaphore, #tpu.memory_space<semaphore_mem>>) attributes {dimension_semantics = [#tpu.dimension_semantics<core_parallel>, #tpu.dimension_semantics<subcore_parallel>], iteration_bounds = array<i64: 2, 16>, scalar_prefetch = 0 : i64, scratch_operands = 13 : i64, tpu.core_type = #tpu.core_type<sc_vector_subcore>, window_params = [{transform_indices = #map}, {transform_indices = #map1}, {transform_indices = #map1}]} {
    %mul3A = arith.constant 2 : i32
    %mul3A_0 = arith.muli %arg1, %mul3A : i32
    %add3A = arith.addi %mul3A_0, %arg0 : i32
    %mul3A_1 = arith.constant 6400 : i32
    %mul3A_2 = arith.muli %add3A, %mul3A_1 : i32
    "tpu.region"() ({
      %run_scoped3A = tpu.sem_alloc : memref<!tpu.dma_semaphore, #tpu.memory_space<semaphore_mem>>
      %dma_start3A_24 = tpu.memref_slice %arg2[%mul3A_2] : memref<204800xi32, #tpu.memory_space<hbm>> -> memref<6400xi32, #tpu.memory_space<hbm>>
      %dma_start3A_25 = tpu.memref_slice %arg2[%mul3A_2] : memref<204800xi32, #tpu.memory_space<hbm>> -> memref<6400xi32, #tpu.memory_space<hbm>>
      tpu.enqueue_dma source(%dma_start3A_25 : memref<6400xi32, #tpu.memory_space<hbm>>) target(%arg5 : memref<6400xi32, #tpu.memory_space<vmem>>) target_semaphore(%run_scoped3A : memref<!tpu.dma_semaphore, #tpu.memory_space<semaphore_mem>>)
      %dma_wait3A_26 = tpu.memref_slice %arg2[%mul3A_2] : memref<204800xi32, #tpu.memory_space<hbm>> -> memref<6400xi32, #tpu.memory_space<hbm>>
      %dma_wait3A_27 = tpu.memref_slice %arg2[%mul3A_2] : memref<204800xi32, #tpu.memory_space<hbm>> -> memref<6400xi32, #tpu.memory_space<hbm>>
      tpu.wait_dma2 semaphore(%run_scoped3A : memref<!tpu.dma_semaphore, #tpu.memory_space<semaphore_mem>>) src(%dma_wait3A_27 : memref<6400xi32, #tpu.memory_space<hbm>>) dst(%arg5 : memref<6400xi32, #tpu.memory_space<vmem>>)
      tpu.yield
    }) : () -> ()
    %dma_start3A = arith.constant 0 : i32
    %dma_start3A_3 = tpu.memref_slice %arg5[%dma_start3A] : memref<6400xi32, #tpu.memory_space<vmem>> -> memref<200xi32, #tpu.memory_space<vmem>>
    %dma_start3A_4 = arith.constant 0 : i32
    %dma_start3A_5 = arith.constant 0 : i32
    %dma_start3A_6 = tpu.memref_slice %arg3[%dma_start3A_4, %dma_start3A_5] : memref<100000x128xf32, #tpu.memory_space<hbm>> -> memref<100000x128xf32, #tpu.memory_space<hbm>>
    tpu.enqueue_indirect_dma source(%dma_start3A_6 : memref<100000x128xf32, #tpu.memory_space<hbm>>) target(%arg6 : memref<200x128xf32, #tpu.memory_space<vmem>>) offsets(%dma_start3A_3 : memref<200xi32, #tpu.memory_space<vmem>>) semaphore(%arg10 : memref<!tpu.dma_semaphore, #tpu.memory_space<semaphore_mem>>)
    %dma_start3A_7 = arith.constant 200 : i32
    %dma_start3A_8 = tpu.memref_slice %arg5[%dma_start3A_7] : memref<6400xi32, #tpu.memory_space<vmem>> -> memref<200xi32, #tpu.memory_space<vmem>>
    %dma_start3A_9 = arith.constant 0 : i32
    %dma_start3A_10 = arith.constant 0 : i32
    %dma_start3A_11 = tpu.memref_slice %arg3[%dma_start3A_9, %dma_start3A_10] : memref<100000x128xf32, #tpu.memory_space<hbm>> -> memref<100000x128xf32, #tpu.memory_space<hbm>>
    tpu.enqueue_indirect_dma source(%dma_start3A_11 : memref<100000x128xf32, #tpu.memory_space<hbm>>) target(%arg7 : memref<200x128xf32, #tpu.memory_space<vmem>>) offsets(%dma_start3A_8 : memref<200xi32, #tpu.memory_space<vmem>>) semaphore(%arg11 : memref<!tpu.dma_semaphore, #tpu.memory_space<semaphore_mem>>)
    %scan3A = arith.constant 0 : i32
    %scan3A_12 = arith.constant 0 : i32
    %scan3A_13 = arith.constant 8 : i32
    %scan3A_14 = arith.addi %scan3A_12, %scan3A_13 : i32
    %scan3A_15 = arith.constant 1 : i32
    scf.for %scan3A_24 = %scan3A_12 to %scan3A_14 step %scan3A_15  : i32 {
      %mul3A_25 = arith.constant 4 : i32
      %mul3A_26 = arith.muli %mul3A_25, %scan3A_24 : i32
      %add3A_27 = arith.constant 0 : i32
      %add3A_28 = arith.addi %mul3A_26, %add3A_27 : i32
      %ge3A = arith.constant 2 : i32
      %ge3A_29 = arith.cmpi sge, %add3A_28, %ge3A : i32
      %convert_element_type3A = arith.extui %ge3A_29 : i1 to i32
      %cond3A = arith.constant 0 : i32
      %cond3A_30 = arith.cmpi ne, %convert_element_type3A, %cond3A : i32
      scf.if %cond3A_30 {
        %dma_wait3A_133 = arith.constant 0 : i32
        %dma_wait3A_134 = tpu.memref_slice %arg4[%mul3A_2, %dma_wait3A_133] : memref<204800x128xf32, #tpu.memory_space<hbm>> -> memref<200x128xf32, #tpu.memory_space<hbm>>
        %dma_wait3A_135 = arith.constant 0 : i32
        %dma_wait3A_136 = tpu.memref_slice %arg4[%mul3A_2, %dma_wait3A_135] : memref<204800x128xf32, #tpu.memory_space<hbm>> -> memref<200x128xf32, #tpu.memory_space<hbm>>
        tpu.wait_dma2 semaphore(%arg16 : memref<!tpu.dma_semaphore, #tpu.memory_space<semaphore_mem>>) src(%arg8 : memref<200x128xf32, #tpu.memory_space<vmem>>) dst(%dma_wait3A_136 : memref<200x128xf32, #tpu.memory_space<hbm>>)
      } else {
      }
      %add3A_31 = arith.constant 2 : i32
      %add3A_32 = arith.addi %add3A_28, %add3A_31 : i32
      %lt3A = arith.constant 32 : i32
      %lt3A_33 = arith.cmpi slt, %add3A_32, %lt3A : i32
      %convert_element_type3A_34 = arith.extui %lt3A_33 : i1 to i32
      %cond3A_35 = arith.constant 0 : i32
      %cond3A_36 = arith.cmpi ne, %convert_element_type3A_34, %cond3A_35 : i32
      scf.if %cond3A_36 {
        %add3A_133 = arith.constant 2 : i32
        %add3A_134 = arith.addi %add3A_28, %add3A_133 : i32
        %mul3A_135 = arith.constant 200 : i32
        %mul3A_136 = arith.muli %add3A_134, %mul3A_135 : i32
        %dma_start3A_137 = tpu.memref_slice %arg5[%mul3A_136] : memref<6400xi32, #tpu.memory_space<vmem>> -> memref<200xi32, #tpu.memory_space<vmem>>
        %dma_start3A_138 = arith.constant 0 : i32
        %dma_start3A_139 = arith.constant 0 : i32
        %dma_start3A_140 = tpu.memref_slice %arg3[%dma_start3A_138, %dma_start3A_139] : memref<100000x128xf32, #tpu.memory_space<hbm>> -> memref<100000x128xf32, #tpu.memory_space<hbm>>
        tpu.enqueue_indirect_dma source(%dma_start3A_140 : memref<100000x128xf32, #tpu.memory_space<hbm>>) target(%arg8 : memref<200x128xf32, #tpu.memory_space<vmem>>) offsets(%dma_start3A_137 : memref<200xi32, #tpu.memory_space<vmem>>) semaphore(%arg12 : memref<!tpu.dma_semaphore, #tpu.memory_space<semaphore_mem>>)
      } else {
      }
      %dma_wait3A_37 = arith.constant 0 : i32
      %dma_wait3A_38 = tpu.memref_slice %arg5[%dma_wait3A_37] : memref<6400xi32, #tpu.memory_space<vmem>> -> memref<200xi32, #tpu.memory_space<vmem>>
      %dma_wait3A_39 = arith.constant 0 : i32
      %dma_wait3A_40 = arith.constant 0 : i32
      %dma_wait3A_41 = tpu.memref_slice %arg3[%dma_wait3A_39, %dma_wait3A_40] : memref<100000x128xf32, #tpu.memory_space<hbm>> -> memref<100000x128xf32, #tpu.memory_space<hbm>>
      tpu.wait_indirect_dma semaphore(%arg10 : memref<!tpu.dma_semaphore, #tpu.memory_space<semaphore_mem>>) src(%dma_wait3A_41 : memref<100000x128xf32, #tpu.memory_space<hbm>>) dst(%arg6 : memref<200x128xf32, #tpu.memory_space<vmem>>)
      %mul3A_42 = arith.constant 200 : i32
      %mul3A_43 = arith.muli %add3A_28, %mul3A_42 : i32
      %add3A_44 = arith.addi %mul3A_2, %mul3A_43 : i32
      %dma_start3A_45 = arith.constant 0 : i32
      %dma_start3A_46 = tpu.memref_slice %arg4[%add3A_44, %dma_start3A_45] : memref<204800x128xf32, #tpu.memory_space<hbm>> -> memref<200x128xf32, #tpu.memory_space<hbm>>
      %dma_start3A_47 = arith.constant 0 : i32
      %dma_start3A_48 = tpu.memref_slice %arg4[%add3A_44, %dma_start3A_47] : memref<204800x128xf32, #tpu.memory_space<hbm>> -> memref<200x128xf32, #tpu.memory_space<hbm>>
      tpu.enqueue_dma source(%arg6 : memref<200x128xf32, #tpu.memory_space<vmem>>) target(%dma_start3A_48 : memref<200x128xf32, #tpu.memory_space<hbm>>) target_semaphore(%arg14 : memref<!tpu.dma_semaphore, #tpu.memory_space<semaphore_mem>>)
      %mul3A_49 = arith.constant 4 : i32
      %mul3A_50 = arith.muli %mul3A_49, %scan3A_24 : i32
      %add3A_51 = arith.constant 1 : i32
      %add3A_52 = arith.addi %mul3A_50, %add3A_51 : i32
      %ge3A_53 = arith.constant 2 : i32
      %ge3A_54 = arith.cmpi sge, %add3A_52, %ge3A_53 : i32
      %convert_element_type3A_55 = arith.extui %ge3A_54 : i1 to i32
      %cond3A_56 = arith.constant 0 : i32
      %cond3A_57 = arith.cmpi ne, %convert_element_type3A_55, %cond3A_56 : i32
      scf.if %cond3A_57 {
        %dma_wait3A_133 = arith.constant 0 : i32
        %dma_wait3A_134 = tpu.memref_slice %arg4[%mul3A_2, %dma_wait3A_133] : memref<204800x128xf32, #tpu.memory_space<hbm>> -> memref<200x128xf32, #tpu.memory_space<hbm>>
        %dma_wait3A_135 = arith.constant 0 : i32
        %dma_wait3A_136 = tpu.memref_slice %arg4[%mul3A_2, %dma_wait3A_135] : memref<204800x128xf32, #tpu.memory_space<hbm>> -> memref<200x128xf32, #tpu.memory_space<hbm>>
        tpu.wait_dma2 semaphore(%arg17 : memref<!tpu.dma_semaphore, #tpu.memory_space<semaphore_mem>>) src(%arg9 : memref<200x128xf32, #tpu.memory_space<vmem>>) dst(%dma_wait3A_136 : memref<200x128xf32, #tpu.memory_space<hbm>>)
      } else {
      }
      %add3A_58 = arith.constant 2 : i32
      %add3A_59 = arith.addi %add3A_52, %add3A_58 : i32
      %lt3A_60 = arith.constant 32 : i32
      %lt3A_61 = arith.cmpi slt, %add3A_59, %lt3A_60 : i32
      %convert_element_type3A_62 = arith.extui %lt3A_61 : i1 to i32
      %cond3A_63 = arith.constant 0 : i32
      %cond3A_64 = arith.cmpi ne, %convert_element_type3A_62, %cond3A_63 : i32
      scf.if %cond3A_64 {
        %add3A_133 = arith.constant 2 : i32
        %add3A_134 = arith.addi %add3A_52, %add3A_133 : i32
        %mul3A_135 = arith.constant 200 : i32
        %mul3A_136 = arith.muli %add3A_134, %mul3A_135 : i32
        %dma_start3A_137 = tpu.memref_slice %arg5[%mul3A_136] : memref<6400xi32, #tpu.memory_space<vmem>> -> memref<200xi32, #tpu.memory_space<vmem>>
        %dma_start3A_138 = arith.constant 0 : i32
        %dma_start3A_139 = arith.constant 0 : i32
        %dma_start3A_140 = tpu.memref_slice %arg3[%dma_start3A_138, %dma_start3A_139] : memref<100000x128xf32, #tpu.memory_space<hbm>> -> memref<100000x128xf32, #tpu.memory_space<hbm>>
        tpu.enqueue_indirect_dma source(%dma_start3A_140 : memref<100000x128xf32, #tpu.memory_space<hbm>>) target(%arg9 : memref<200x128xf32, #tpu.memory_space<vmem>>) offsets(%dma_start3A_137 : memref<200xi32, #tpu.memory_space<vmem>>) semaphore(%arg13 : memref<!tpu.dma_semaphore, #tpu.memory_space<semaphore_mem>>)
      } else {
      }
      %dma_wait3A_65 = arith.constant 0 : i32
      %dma_wait3A_66 = tpu.memref_slice %arg5[%dma_wait3A_65] : memref<6400xi32, #tpu.memory_space<vmem>> -> memref<200xi32, #tpu.memory_space<vmem>>
      %dma_wait3A_67 = arith.constant 0 : i32
      %dma_wait3A_68 = arith.constant 0 : i32
      %dma_wait3A_69 = tpu.memref_slice %arg3[%dma_wait3A_67, %dma_wait3A_68] : memref<100000x128xf32, #tpu.memory_space<hbm>> -> memref<100000x128xf32, #tpu.memory_space<hbm>>
      tpu.wait_indirect_dma semaphore(%arg11 : memref<!tpu.dma_semaphore, #tpu.memory_space<semaphore_mem>>) src(%dma_wait3A_69 : memref<100000x128xf32, #tpu.memory_space<hbm>>) dst(%arg7 : memref<200x128xf32, #tpu.memory_space<vmem>>)
      %mul3A_70 = arith.constant 200 : i32
      %mul3A_71 = arith.muli %add3A_52, %mul3A_70 : i32
      %add3A_72 = arith.addi %mul3A_2, %mul3A_71 : i32
      %dma_start3A_73 = arith.constant 0 : i32
      %dma_start3A_74 = tpu.memref_slice %arg4[%add3A_72, %dma_start3A_73] : memref<204800x128xf32, #tpu.memory_space<hbm>> -> memref<200x128xf32, #tpu.memory_space<hbm>>
      %dma_start3A_75 = arith.constant 0 : i32
      %dma_start3A_76 = tpu.memref_slice %arg4[%add3A_72, %dma_start3A_75] : memref<204800x128xf32, #tpu.memory_space<hbm>> -> memref<200x128xf32, #tpu.memory_space<hbm>>
      tpu.enqueue_dma source(%arg7 : memref<200x128xf32, #tpu.memory_space<vmem>>) target(%dma_start3A_76 : memref<200x128xf32, #tpu.memory_space<hbm>>) target_semaphore(%arg15 : memref<!tpu.dma_semaphore, #tpu.memory_space<semaphore_mem>>)
      %mul3A_77 = arith.constant 4 : i32
      %mul3A_78 = arith.muli %mul3A_77, %scan3A_24 : i32
      %add3A_79 = arith.constant 2 : i32
      %add3A_80 = arith.addi %mul3A_78, %add3A_79 : i32
      %ge3A_81 = arith.constant 2 : i32
      %ge3A_82 = arith.cmpi sge, %add3A_80, %ge3A_81 : i32
      %convert_element_type3A_83 = arith.extui %ge3A_82 : i1 to i32
      %cond3A_84 = arith.constant 0 : i32
      %cond3A_85 = arith.cmpi ne, %convert_element_type3A_83, %cond3A_84 : i32
      scf.if %cond3A_85 {
        %dma_wait3A_133 = arith.constant 0 : i32
        %dma_wait3A_134 = tpu.memref_slice %arg4[%mul3A_2, %dma_wait3A_133] : memref<204800x128xf32, #tpu.memory_space<hbm>> -> memref<200x128xf32, #tpu.memory_space<hbm>>
        %dma_wait3A_135 = arith.constant 0 : i32
        %dma_wait3A_136 = tpu.memref_slice %arg4[%mul3A_2, %dma_wait3A_135] : memref<204800x128xf32, #tpu.memory_space<hbm>> -> memref<200x128xf32, #tpu.memory_space<hbm>>
        tpu.wait_dma2 semaphore(%arg14 : memref<!tpu.dma_semaphore, #tpu.memory_space<semaphore_mem>>) src(%arg6 : memref<200x128xf32, #tpu.memory_space<vmem>>) dst(%dma_wait3A_136 : memref<200x128xf32, #tpu.memory_space<hbm>>)
      } else {
      }
      %add3A_86 = arith.constant 2 : i32
      %add3A_87 = arith.addi %add3A_80, %add3A_86 : i32
      %lt3A_88 = arith.constant 32 : i32
      %lt3A_89 = arith.cmpi slt, %add3A_87, %lt3A_88 : i32
      %convert_element_type3A_90 = arith.extui %lt3A_89 : i1 to i32
      %cond3A_91 = arith.constant 0 : i32
      %cond3A_92 = arith.cmpi ne, %convert_element_type3A_90, %cond3A_91 : i32
      scf.if %cond3A_92 {
        %add3A_133 = arith.constant 2 : i32
        %add3A_134 = arith.addi %add3A_80, %add3A_133 : i32
        %mul3A_135 = arith.constant 200 : i32
        %mul3A_136 = arith.muli %add3A_134, %mul3A_135 : i32
        %dma_start3A_137 = tpu.memref_slice %arg5[%mul3A_136] : memref<6400xi32, #tpu.memory_space<vmem>> -> memref<200xi32, #tpu.memory_space<vmem>>
        %dma_start3A_138 = arith.constant 0 : i32
        %dma_start3A_139 = arith.constant 0 : i32
        %dma_start3A_140 = tpu.memref_slice %arg3[%dma_start3A_138, %dma_start3A_139] : memref<100000x128xf32, #tpu.memory_space<hbm>> -> memref<100000x128xf32, #tpu.memory_space<hbm>>
        tpu.enqueue_indirect_dma source(%dma_start3A_140 : memref<100000x128xf32, #tpu.memory_space<hbm>>) target(%arg6 : memref<200x128xf32, #tpu.memory_space<vmem>>) offsets(%dma_start3A_137 : memref<200xi32, #tpu.memory_space<vmem>>) semaphore(%arg10 : memref<!tpu.dma_semaphore, #tpu.memory_space<semaphore_mem>>)
      } else {
      }
      %dma_wait3A_93 = arith.constant 0 : i32
      %dma_wait3A_94 = tpu.memref_slice %arg5[%dma_wait3A_93] : memref<6400xi32, #tpu.memory_space<vmem>> -> memref<200xi32, #tpu.memory_space<vmem>>
      %dma_wait3A_95 = arith.constant 0 : i32
      %dma_wait3A_96 = arith.constant 0 : i32
      %dma_wait3A_97 = tpu.memref_slice %arg3[%dma_wait3A_95, %dma_wait3A_96] : memref<100000x128xf32, #tpu.memory_space<hbm>> -> memref<100000x128xf32, #tpu.memory_space<hbm>>
      tpu.wait_indirect_dma semaphore(%arg12 : memref<!tpu.dma_semaphore, #tpu.memory_space<semaphore_mem>>) src(%dma_wait3A_97 : memref<100000x128xf32, #tpu.memory_space<hbm>>) dst(%arg8 : memref<200x128xf32, #tpu.memory_space<vmem>>)
      %mul3A_98 = arith.constant 200 : i32
      %mul3A_99 = arith.muli %add3A_80, %mul3A_98 : i32
      %add3A_100 = arith.addi %mul3A_2, %mul3A_99 : i32
      %dma_start3A_101 = arith.constant 0 : i32
      %dma_start3A_102 = tpu.memref_slice %arg4[%add3A_100, %dma_start3A_101] : memref<204800x128xf32, #tpu.memory_space<hbm>> -> memref<200x128xf32, #tpu.memory_space<hbm>>
      %dma_start3A_103 = arith.constant 0 : i32
      %dma_start3A_104 = tpu.memref_slice %arg4[%add3A_100, %dma_start3A_103] : memref<204800x128xf32, #tpu.memory_space<hbm>> -> memref<200x128xf32, #tpu.memory_space<hbm>>
      tpu.enqueue_dma source(%arg8 : memref<200x128xf32, #tpu.memory_space<vmem>>) target(%dma_start3A_104 : memref<200x128xf32, #tpu.memory_space<hbm>>) target_semaphore(%arg16 : memref<!tpu.dma_semaphore, #tpu.memory_space<semaphore_mem>>)
      %mul3A_105 = arith.constant 4 : i32
      %mul3A_106 = arith.muli %mul3A_105, %scan3A_24 : i32
      %add3A_107 = arith.constant 3 : i32
      %add3A_108 = arith.addi %mul3A_106, %add3A_107 : i32
      %ge3A_109 = arith.constant 2 : i32
      %ge3A_110 = arith.cmpi sge, %add3A_108, %ge3A_109 : i32
      %convert_element_type3A_111 = arith.extui %ge3A_110 : i1 to i32
      %cond3A_112 = arith.constant 0 : i32
      %cond3A_113 = arith.cmpi ne, %convert_element_type3A_111, %cond3A_112 : i32
      scf.if %cond3A_113 {
        %dma_wait3A_133 = arith.constant 0 : i32
        %dma_wait3A_134 = tpu.memref_slice %arg4[%mul3A_2, %dma_wait3A_133] : memref<204800x128xf32, #tpu.memory_space<hbm>> -> memref<200x128xf32, #tpu.memory_space<hbm>>
        %dma_wait3A_135 = arith.constant 0 : i32
        %dma_wait3A_136 = tpu.memref_slice %arg4[%mul3A_2, %dma_wait3A_135] : memref<204800x128xf32, #tpu.memory_space<hbm>> -> memref<200x128xf32, #tpu.memory_space<hbm>>
        tpu.wait_dma2 semaphore(%arg15 : memref<!tpu.dma_semaphore, #tpu.memory_space<semaphore_mem>>) src(%arg7 : memref<200x128xf32, #tpu.memory_space<vmem>>) dst(%dma_wait3A_136 : memref<200x128xf32, #tpu.memory_space<hbm>>)
      } else {
      }
      %add3A_114 = arith.constant 2 : i32
      %add3A_115 = arith.addi %add3A_108, %add3A_114 : i32
      %lt3A_116 = arith.constant 32 : i32
      %lt3A_117 = arith.cmpi slt, %add3A_115, %lt3A_116 : i32
      %convert_element_type3A_118 = arith.extui %lt3A_117 : i1 to i32
      %cond3A_119 = arith.constant 0 : i32
      %cond3A_120 = arith.cmpi ne, %convert_element_type3A_118, %cond3A_119 : i32
      scf.if %cond3A_120 {
        %add3A_133 = arith.constant 2 : i32
        %add3A_134 = arith.addi %add3A_108, %add3A_133 : i32
        %mul3A_135 = arith.constant 200 : i32
        %mul3A_136 = arith.muli %add3A_134, %mul3A_135 : i32
        %dma_start3A_137 = tpu.memref_slice %arg5[%mul3A_136] : memref<6400xi32, #tpu.memory_space<vmem>> -> memref<200xi32, #tpu.memory_space<vmem>>
        %dma_start3A_138 = arith.constant 0 : i32
        %dma_start3A_139 = arith.constant 0 : i32
        %dma_start3A_140 = tpu.memref_slice %arg3[%dma_start3A_138, %dma_start3A_139] : memref<100000x128xf32, #tpu.memory_space<hbm>> -> memref<100000x128xf32, #tpu.memory_space<hbm>>
        tpu.enqueue_indirect_dma source(%dma_start3A_140 : memref<100000x128xf32, #tpu.memory_space<hbm>>) target(%arg7 : memref<200x128xf32, #tpu.memory_space<vmem>>) offsets(%dma_start3A_137 : memref<200xi32, #tpu.memory_space<vmem>>) semaphore(%arg11 : memref<!tpu.dma_semaphore, #tpu.memory_space<semaphore_mem>>)
      } else {
      }
      %dma_wait3A_121 = arith.constant 0 : i32
      %dma_wait3A_122 = tpu.memref_slice %arg5[%dma_wait3A_121] : memref<6400xi32, #tpu.memory_space<vmem>> -> memref<200xi32, #tpu.memory_space<vmem>>
      %dma_wait3A_123 = arith.constant 0 : i32
      %dma_wait3A_124 = arith.constant 0 : i32
      %dma_wait3A_125 = tpu.memref_slice %arg3[%dma_wait3A_123, %dma_wait3A_124] : memref<100000x128xf32, #tpu.memory_space<hbm>> -> memref<100000x128xf32, #tpu.memory_space<hbm>>
      tpu.wait_indirect_dma semaphore(%arg13 : memref<!tpu.dma_semaphore, #tpu.memory_space<semaphore_mem>>) src(%dma_wait3A_125 : memref<100000x128xf32, #tpu.memory_space<hbm>>) dst(%arg9 : memref<200x128xf32, #tpu.memory_space<vmem>>)
      %mul3A_126 = arith.constant 200 : i32
      %mul3A_127 = arith.muli %add3A_108, %mul3A_126 : i32
      %add3A_128 = arith.addi %mul3A_2, %mul3A_127 : i32
      %dma_start3A_129 = arith.constant 0 : i32
      %dma_start3A_130 = tpu.memref_slice %arg4[%add3A_128, %dma_start3A_129] : memref<204800x128xf32, #tpu.memory_space<hbm>> -> memref<200x128xf32, #tpu.memory_space<hbm>>
      %dma_start3A_131 = arith.constant 0 : i32
      %dma_start3A_132 = tpu.memref_slice %arg4[%add3A_128, %dma_start3A_131] : memref<204800x128xf32, #tpu.memory_space<hbm>> -> memref<200x128xf32, #tpu.memory_space<hbm>>
      tpu.enqueue_dma source(%arg9 : memref<200x128xf32, #tpu.memory_space<vmem>>) target(%dma_start3A_132 : memref<200x128xf32, #tpu.memory_space<hbm>>) target_semaphore(%arg17 : memref<!tpu.dma_semaphore, #tpu.memory_space<semaphore_mem>>)
    }
    %scan3A_16 = arith.constant 8 : i32
    %dma_wait3A = arith.constant 0 : i32
    %dma_wait3A_17 = tpu.memref_slice %arg4[%mul3A_2, %dma_wait3A] : memref<204800x128xf32, #tpu.memory_space<hbm>> -> memref<200x128xf32, #tpu.memory_space<hbm>>
    %dma_wait3A_18 = arith.constant 0 : i32
    %dma_wait3A_19 = tpu.memref_slice %arg4[%mul3A_2, %dma_wait3A_18] : memref<204800x128xf32, #tpu.memory_space<hbm>> -> memref<200x128xf32, #tpu.memory_space<hbm>>
    tpu.wait_dma2 semaphore(%arg16 : memref<!tpu.dma_semaphore, #tpu.memory_space<semaphore_mem>>) src(%arg8 : memref<200x128xf32, #tpu.memory_space<vmem>>) dst(%dma_wait3A_19 : memref<200x128xf32, #tpu.memory_space<hbm>>)
    %dma_wait3A_20 = arith.constant 0 : i32
    %dma_wait3A_21 = tpu.memref_slice %arg4[%mul3A_2, %dma_wait3A_20] : memref<204800x128xf32, #tpu.memory_space<hbm>> -> memref<200x128xf32, #tpu.memory_space<hbm>>
    %dma_wait3A_22 = arith.constant 0 : i32
    %dma_wait3A_23 = tpu.memref_slice %arg4[%mul3A_2, %dma_wait3A_22] : memref<204800x128xf32, #tpu.memory_space<hbm>> -> memref<200x128xf32, #tpu.memory_space<hbm>>
    tpu.wait_dma2 semaphore(%arg17 : memref<!tpu.dma_semaphore, #tpu.memory_space<semaphore_mem>>) src(%arg9 : memref<200x128xf32, #tpu.memory_space<vmem>>) dst(%dma_wait3A_23 : memref<200x128xf32, #tpu.memory_space<hbm>>)
    return
  }
}

module attributes {stable_mosaic.version = 14 : i64} {
  func.func @_ln_body(%arg0: i32, %arg1: memref<12800x128xf32, #tpu.memory_space<vmem>>, %arg2: memref<200x128xf32, #tpu.memory_space<vmem>>, %arg3: memref<2x128xf32, #tpu.memory_space<vmem>>, %arg4: memref<1x128xf32, #tpu.memory_space<vmem>>, %arg5: memref<1x128xf32, #tpu.memory_space<vmem>>, %arg6: memref<12800x128xf32, #tpu.memory_space<vmem>>) attributes {dimension_semantics = [#tpu.dimension_semantics<arbitrary>], iteration_bounds = array<i64: 16>, scalar_prefetch = 0 : i64, scratch_operands = 0 : i64, tpu.core_type = #tpu.core_type<tc>, window_params = [{transform_indices = @transform_0, window_bounds = array<i64: 12800, 128>}, {pipeline_mode = #tpu.pipeline_mode<synchronous>, transform_indices = @transform_1, window_bounds = array<i64: 200, 128>}, {pipeline_mode = #tpu.pipeline_mode<synchronous>, transform_indices = @transform_2, window_bounds = array<i64: 2, 128>}, {pipeline_mode = #tpu.pipeline_mode<synchronous>, transform_indices = @transform_3, window_bounds = array<i64: 1, 128>}, {pipeline_mode = #tpu.pipeline_mode<synchronous>, transform_indices = @transform_4, window_bounds = array<i64: 1, 128>}, {transform_indices = @transform_5, window_bounds = array<i64: 12800, 128>}]} {
    %get3A = arith.constant 0 : index
    %get3A_0 = arith.constant 0 : index
    %get3A_1 = vector.load %arg2[%get3A, %get3A_0] : memref<200x128xf32, #tpu.memory_space<vmem>>, vector<200x128xf32>
    %get3A_2 = arith.constant 0 : index
    %get3A_3 = arith.constant 0 : index
    %get3A_4 = vector.load %arg3[%get3A_2, %get3A_3] : memref<2x128xf32, #tpu.memory_space<vmem>>, vector<1x128xf32>
    %get3A_5 = vector.shape_cast %get3A_4 : vector<1x128xf32> to vector<128xf32>
    %broadcast_in_dim3A = vector.shape_cast %get3A_5 : vector<128xf32> to vector<1x128xf32>
    %add3A = vector.broadcast %broadcast_in_dim3A : vector<1x128xf32> to vector<200x128xf32>
    %add3A_6 = arith.addf %get3A_1, %add3A : vector<200x128xf32>
    %get3A_7 = arith.constant 0 : index
    %get3A_8 = arith.constant 0 : index
    %get3A_9 = vector.load %arg4[%get3A_7, %get3A_8] : memref<1x128xf32, #tpu.memory_space<vmem>>, vector<1x128xf32>
    %get3A_10 = vector.shape_cast %get3A_9 : vector<1x128xf32> to vector<128xf32>
    %broadcast_in_dim3A_11 = vector.shape_cast %get3A_10 : vector<128xf32> to vector<1x1x128xf32>
    %get3A_12 = arith.constant 0 : index
    %get3A_13 = arith.constant 0 : index
    %get3A_14 = vector.load %arg5[%get3A_12, %get3A_13] : memref<1x128xf32, #tpu.memory_space<vmem>>, vector<1x128xf32>
    %get3A_15 = vector.shape_cast %get3A_14 : vector<1x128xf32> to vector<128xf32>
    %broadcast_in_dim3A_16 = vector.shape_cast %get3A_15 : vector<128xf32> to vector<1x1x128xf32>
    %scan3A = arith.constant 0 : i32
    %scan3A_17 = arith.constant 2 : i32
    %scan3A_18 = arith.addi %scan3A, %scan3A_17 : i32
    %scan3A_19 = arith.constant 1 : i32
    scf.for %scan3A_21 = %scan3A to %scan3A_18 step %scan3A_19  : i32 {
      %mul3A = arith.constant 6400 : i32
      %mul3A_22 = arith.muli %scan3A_21, %mul3A : i32
      %get3A_23 = arith.index_cast %mul3A_22 : i32 to index
      %get3A_24 = arith.constant 0 : index
      %get3A_25 = vector.load %arg1[%get3A_23, %get3A_24] : memref<12800x128xf32, #tpu.memory_space<vmem>>, vector<6400x128xf32>
      %reshape3A = vector.shape_cast %get3A_25 : vector<6400x128xf32> to vector<32x200x128xf32>
      %broadcast_in_dim3A_26 = vector.shape_cast %add3A_6 : vector<200x128xf32> to vector<1x200x128xf32>
      %add3A_27 = vector.broadcast %broadcast_in_dim3A_26 : vector<1x200x128xf32> to vector<32x200x128xf32>
      %add3A_28 = arith.addf %reshape3A, %add3A_27 : vector<32x200x128xf32>
      %reduce_sum3A = arith.constant dense<0.000000e+00> : vector<32x200xf32>
      %reduce_sum3A_29 = vector.multi_reduction <add>, %add3A_28, %reduce_sum3A [2] : vector<32x200x128xf32> to vector<32x200xf32>
      %broadcast_in_dim3A_30 = vector.shape_cast %reduce_sum3A_29 : vector<32x200xf32> to vector<32x200x1xf32>
      %div3A = arith.constant 1.280000e+02 : f32
      %div3A_31 = vector.broadcast %div3A : f32 to vector<32x200x1xf32>
      %div3A_32 = arith.divf %broadcast_in_dim3A_30, %div3A_31 : vector<32x200x1xf32>
      %sub3A = vector.broadcast %div3A_32 : vector<32x200x1xf32> to vector<32x200x128xf32>
      %sub3A_33 = arith.subf %add3A_28, %sub3A : vector<32x200x128xf32>
      %mul3A_34 = arith.mulf %sub3A_33, %sub3A_33 : vector<32x200x128xf32>
      %reduce_sum3A_35 = arith.constant dense<0.000000e+00> : vector<32x200xf32>
      %reduce_sum3A_36 = vector.multi_reduction <add>, %mul3A_34, %reduce_sum3A_35 [2] : vector<32x200x128xf32> to vector<32x200xf32>
      %broadcast_in_dim3A_37 = vector.shape_cast %reduce_sum3A_36 : vector<32x200xf32> to vector<32x200x1xf32>
      %div3A_38 = arith.constant 1.280000e+02 : f32
      %div3A_39 = vector.broadcast %div3A_38 : f32 to vector<32x200x1xf32>
      %div3A_40 = arith.divf %broadcast_in_dim3A_37, %div3A_39 : vector<32x200x1xf32>
      %add3A_41 = arith.constant 9.99999996E-13 : f32
      %add3A_42 = vector.broadcast %add3A_41 : f32 to vector<32x200x1xf32>
      %add3A_43 = arith.addf %div3A_40, %add3A_42 : vector<32x200x1xf32>
      %rsqrt3A = math.rsqrt %add3A_43 : vector<32x200x1xf32>
      %mul3A_44 = vector.broadcast %rsqrt3A : vector<32x200x1xf32> to vector<32x200x128xf32>
      %mul3A_45 = arith.mulf %sub3A_33, %mul3A_44 : vector<32x200x128xf32>
      %mul3A_46 = vector.broadcast %broadcast_in_dim3A_11 : vector<1x1x128xf32> to vector<32x200x128xf32>
      %mul3A_47 = arith.mulf %mul3A_45, %mul3A_46 : vector<32x200x128xf32>
      %add3A_48 = vector.broadcast %broadcast_in_dim3A_16 : vector<1x1x128xf32> to vector<32x200x128xf32>
      %add3A_49 = arith.addf %mul3A_47, %add3A_48 : vector<32x200x128xf32>
      %reshape3A_50 = vector.shape_cast %add3A_49 : vector<32x200x128xf32> to vector<6400x128xf32>
      %mul3A_51 = arith.constant 6400 : i32
      %mul3A_52 = arith.muli %scan3A_21, %mul3A_51 : i32
      %swap3A = arith.index_cast %mul3A_52 : i32 to index
      %swap3A_53 = arith.constant 0 : index
      %swap3A_54 = vector.load %arg6[%swap3A, %swap3A_53] : memref<12800x128xf32, #tpu.memory_space<vmem>>, vector<6400x128xf32>
      tpu.vector_store %arg6[%swap3A, %swap3A_53], %reshape3A_50 {strides = array<i32>} : memref<12800x128xf32, #tpu.memory_space<vmem>>, vector<6400x128xf32>,
    }
    %scan3A_20 = arith.constant 2 : i32
    return
  }
  func.func @transform_0(%arg0: i32) -> (i32, i32) {
    %c0_i32 = arith.constant 0 : i32
    %c0_i32_0 = arith.constant 0 : i32
    return %arg0, %c0_i32 : i32, i32
  }
  func.func @transform_1(%arg0: i32) -> (i32, i32) {
    %c0_i32 = arith.constant 0 : i32
    %c0_i32_0 = arith.constant 0 : i32
    %c0_i32_1 = arith.constant 0 : i32
    return %c0_i32, %c0_i32_0 : i32, i32
  }
  func.func @transform_2(%arg0: i32) -> (i32, i32) {
    %c0_i32 = arith.constant 0 : i32
    %c0_i32_0 = arith.constant 0 : i32
    %c0_i32_1 = arith.constant 0 : i32
    return %c0_i32, %c0_i32_0 : i32, i32
  }
  func.func @transform_3(%arg0: i32) -> (i32, i32) {
    %c0_i32 = arith.constant 0 : i32
    %c0_i32_0 = arith.constant 0 : i32
    %c0_i32_1 = arith.constant 0 : i32
    return %c0_i32, %c0_i32_0 : i32, i32
  }
  func.func @transform_4(%arg0: i32) -> (i32, i32) {
    %c0_i32 = arith.constant 0 : i32
    %c0_i32_0 = arith.constant 0 : i32
    %c0_i32_1 = arith.constant 0 : i32
    return %c0_i32, %c0_i32_0 : i32, i32
  }
  func.func @transform_5(%arg0: i32) -> (i32, i32) {
    %c0_i32 = arith.constant 0 : i32
    %c0_i32_0 = arith.constant 0 : i32
    return %arg0, %c0_i32 : i32, i32
  }
}

</mosaic_0001>

<sc_bundles>
// kernel: kernel.4.cloned.1.call-start
scs
__scs_entry_jumppad:
0x0: {  	(pc) =	sbr.rel $0x88, $3  }
0x1: {  	(tag) =	ssettag $0x0;
	lr =	simm.s32 $0x1  }
0x2: {  	[smem:$0x3F9B] =	sst lr;
	_ =	strace $0xD0000000  }
0x3: {  	_ = 	snop  }
0x4: {  	_ = 	snop  }
0x5: {  	_ = 	snop  }
0x6: {  	_ = 	snop  }
0x7: {  	_ = 	snop  }
__scs_overlays_trampoline_lowered:
0x8: {  	[smem:$0x3FAA] =	sst s0  }
0x9: {  	[smem:$0x3FAB] =	sst s1  }
0xa: {  	[smem:$0x3FAC] =	sst s2  }
0xb: {  	[smem:$0x3FAD] =	sst s3  }
0xc: {  	[smem:$0x3FAE] =	sst s4  }
0xd: {  	[smem:$0x3FAF] =	sst s5  }
0xe: {  	[smem:$0x3FB0] =	sst s6  }
0xf: {  	[smem:$0x3FB1] =	sst s7  }
0x10: {  	[smem:$0x3FB2] =	sst s8  }
0x11: {  	[smem:$0x3FB3] =	sst s9;
	s0 =	simm.s32 @!p0 $0x0  }
0x12: {  	s1 =	sld [smem:$0x3F99];
	s0 =	simm.s32 @p0 $0x1  }
0x13: {  	[smem:$0x3FB4] =	sst s0;
	s0 =	simm.s32 @!p1 $0x0  }
0x14: {  	s2 =	sld [smem:$0x3F98];
	s0 =	simm.s32 @p1 $0x1  }
0x15: {  	[smem:$0x3FB5] =	sst s0;
	s0 =	simm.s32 @!p2 $0x0  }
0x16: {  	s3 =	sld [smem:$0x3FDB];
	s0 =	simm.s32 @p2 $0x1  }
0x17: {  	s4 =	simm.s32 $0x1BF5;
	[smem:$0x3FB7] =	sst s0  }
0x18: {  	s0 =	sld [smem:$0x3F9A];
	_ =	swait.ge [sflag:s4], $0x0  }
0x19: {  	s7 =	sld [smem:$0x3F9B]  }
0x1a: {  	s8 =	sadd.s32 $0xFFFFE003, lr  }
0x1b: {  	s9 =	sadd.s32 $0xFFFFFEF7, lr;
	s5 =	simm.s32 $0xFFFFFFFF;
	p2 =	slt.u32 s8, $0xFFFFF086  }
0x1c: {  	p1 =	slt.u32 s9, $0xF7A;
	s5 =	simm.s32 @!p2 $0x0  }
0x1d: {  	s5 =	simm.s32 @p1 $0x1;
	p0 =	seq.s32 s7, s2  }
0x1e: {  	s7 =	smul.u32 @!p0 $0xF7A, s2;
	p2 =	seq.s32 @!p0 s5, $0x0  }
0x1f: {  	s9 =	smul.u32 $0xF7A, s1;
	s8 =	simm.s32 @!p0 $0x1BF5;
	p2 =	por !p2, p0  }
0x20: {  	[sflag:s8] =	ssyncset.s32 @!p0 $0xFFFFF086;
	s6 =	sadd.s32 @!p0 s3, s7;
	s7 =	simm.s32 @!p0 $0x108  }
0x21: {  	s3 =	sadd.s32 s3, s9;
	s6 =	sadd.s32 @!p0 $0x88, s6;
	s7 =	simm.s32 @p2 $0x1082  }
0x22: {  	[simem:s7], [sflag:s8] =	dma.local @!p0 [hbm:s6], $0xF7A  }
0x23: {  	s9 =	sor.u32 $0xD0000000, s2;
	s6 =	simm.s32 $0x108;
	_ =	swait.ge @!p0 [sflag:s8], $0x0  }
0x24: {  	s3 =	sadd.s32 $0x88, s3;
	s6 =	simm.s32 @!p1 $0x1082;
	[sflag:s4] =	ssyncset.s32 $0xFFFFF086  }
0x25: {  	[simem:s6], [sflag:s4] =	dma.local [hbm:s3], $0xF7A  }
0x26: {  	[smem:$0x3F9B] =	sst s1;
	(tag) =	ssettag s2;
	_ =	strace s9  }
0x27: {  	s1 =	sld [smem:$0x3FAB]  }
0x28: {  	s2 =	sld [smem:$0x3FAC]  }
0x29: {  	s4 =	sld [smem:$0x3FAE]  }
0x2a: {  	p0 =	seq.s32 s5, $0x0;
	s5 =	sld [smem:$0x3FAF]  }
0x2b: {  	s6 =	sld [smem:$0x3FB0]  }
0x2c: {  	s7 =	sld [smem:$0x3FB1]  }
0x2d: {  	s3 =	simm.s32 $0x108;
	s8 =	sld [smem:$0x3FB2]  }
0x2e: {  	s3 =	simm.s32 @!p0 $0x1082;
	s9 =	sld [smem:$0x3FB3]  }
0x2f: {  	lr =	sadd.s32 s0, s3;
	s0 =	sld [smem:$0x3FAA]  }
0x30: {  	s3 =	sld [smem:$0x3FAD]  }
0x31: {  	[smem:$0x3FB6] =	sst s10  }
0x32: {  	s10 =	sld [smem:$0x3FB4];
	_ =	sdelay $0x3  }
0x33: {  	p0 =	seq.s32 s10, $0x1;
	s10 =	sld [smem:$0x3FB6];
	_ =	sdelay $0x3  }
0x34: {  	[smem:$0x3FB6] =	sst s10  }
0x35: {  	s10 =	sld [smem:$0x3FB5];
	_ =	sdelay $0x3  }
0x36: {  	p1 =	seq.s32 s10, $0x1;
	s10 =	sld [smem:$0x3FB6];
	_ =	sdelay $0x3  }
0x37: {  	[smem:$0x3FB6] =	sst s10  }
0x38: {  	s10 =	sld [smem:$0x3FB7]  }
0x39: {  	_ = 	snop;
	(pc) =	sbr.ind lr, $3  }
0x3a: {  	_ = 	snop  }
0x3b: {  	_ = 	snop  }
0x3c: {  	p2 =	seq.s32 s10, $0x1;
	s10 =	sld [smem:$0x3FB6]  }
0x3d: {  	_ =	shalt  }
0x3e: {  	_ =	shalt  }
0x3f: {  	_ =	shalt  }
0x40: {  	_ =	shalt  }
0x41: {  	_ =	shalt  }
0x42: {  	_ =	shalt  }
0x43: {  	_ =	shalt  }
0x44: {  	_ =	shalt  }
0x45: {  	_ =	shalt  }
0x46: {  	_ =	shalt  }
0x47: {  	_ =	shalt  }
0x48: {  	_ =	shalt  }
0x49: {  	_ =	shalt  }
0x4a: {  	_ =	shalt  }
0x4b: {  	_ =	shalt  }
0x4c: {  	_ =	shalt  }
0x4d: {  	_ =	shalt  }
0x4e: {  	_ =	shalt  }
0x4f: {  	_ =	shalt  }
0x50: {  	_ =	shalt  }
0x51: {  	_ =	shalt  }
0x52: {  	_ =	shalt  }
0x53: {  	_ =	shalt  }
0x54: {  	_ =	shalt  }
0x55: {  	_ =	shalt  }
0x56: {  	_ =	shalt  }
0x57: {  	_ =	shalt  }
0x58: {  	_ =	shalt  }
0x59: {  	_ =	shalt  }
0x5a: {  	_ =	shalt  }
0x5b: {  	_ =	shalt  }
0x5c: {  	_ =	shalt  }
0x5d: {  	_ =	shalt  }
0x5e: {  	_ =	shalt  }
0x5f: {  	_ =	shalt  }
0x60: {  	_ =	shalt  }
0x61: {  	_ =	shalt  }
0x62: {  	_ =	shalt  }
0x63: {  	_ =	shalt  }
0x64: {  	_ =	shalt  }
0x65: {  	_ =	shalt  }
0x66: {  	_ =	shalt  }
0x67: {  	_ =	shalt  }
0x68: {  	_ =	shalt  }
0x69: {  	_ =	shalt  }
0x6a: {  	_ =	shalt  }
0x6b: {  	_ =	shalt  }
0x6c: {  	_ =	shalt  }
0x6d: {  	_ =	shalt  }
0x6e: {  	_ =	shalt  }
0x6f: {  	_ =	shalt  }
0x70: {  	_ =	shalt  }
0x71: {  	_ =	shalt  }
0x72: {  	_ =	shalt  }
0x73: {  	_ =	shalt  }
0x74: {  	_ =	shalt  }
0x75: {  	_ =	shalt  }
0x76: {  	_ =	shalt  }
0x77: {  	_ =	shalt  }
0x78: {  	_ =	shalt  }
0x79: {  	_ =	shalt  }
0x7a: {  	_ =	shalt  }
0x7b: {  	_ =	shalt  }
0x7c: {  	_ =	shalt  }
0x7d: {  	_ =	shalt  }
0x7e: {  	_ =	shalt  }
0x7f: {  	_ =	shalt  }
0x80: {  	_ =	shalt  }
0x81: {  	_ =	shalt  }
0x82: {  	_ =	shalt  }
0x83: {  	_ =	shalt  }
0x84: {  	_ =	shalt  }
0x85: {  	_ =	shalt  }
0x86: {  	_ =	shalt  }
0x87: {  	_ =	shalt  }
.Lfunc_end0:
.L_simem_size_0:
called_computation_lowered:
.L_overlay_start_0:
0x88: {  	s2 =	sld [smem:$0x3FD9]  }
0x89: {  	s3 =	sld [smem:$0x3FFE];
	_ =	sdelay $0x1  }
0x8a: {  	s1 =	srdreg.scid  }
0x8b: {  	s0 =	sand.u32 $0x1, s1  }
0x8c: {  	s17 =	sshll.u32 s0, $0xA;
	s2 =	sadd.s32 s3, s2  }
0x8d: {  	s2 =	sadd.s32 s2, s17  }
0x8e: {  	[smem:$0x3FC2] =	sst s2  }
0x8f: {  	_ = 	snop  }
0x90: {  	s2 =	sld [smem:$0x3FC8]  }
0x91: {  	s18 =	sld [smem:$0x3FD0];
	(tm) =	ssettm $0x1  }
0x92: {  	s4 =	sld [smem:$0x3FFB];
	_ =	sdelay $0x3  }
0x93: {  	_ =	strace s4  }
0x94: {  	s4 =	sld [smem:$0x3FFC];
	_ =	sdelay $0x3  }
0x95: {  	_ =	strace s4  }
0x96: {  	s4 =	sld [smem:$0x3FFD];
	_ =	sdelay $0x3  }
0x97: {  	_ =	strace s4  }
0x98: {  	_ =	strace $0x8FFFFFFF  }
0x99: {  	s19 =	sld [smem:$0x3FDB];
	_ =	sdelay $0x1  }
0x9a: {  	s5 =	simm.s32 $_scs_section_size  }
0x9b: {  	s6 =	simm.s32 $_size__tile_overlayer_lowered;
	s7 =	simm.s32 $_tile_overlayer_lowered  }
0x9c: {  	s22 =	simm.s32 $0x1BFF;
	s21 =	sshll.u32 s7, $0x1;
	s4 =	sadd.s32 s5, s19  }
0x9d: {  	s8 =	simm.s32 $0x0;
	s20 =	sshll.u32 s6, $0x1;
	s6 =	sadd.s32 s21, s4  }
0x9e: {  	[timem:s8], [sflag:s22] =	dma.local [hbm:s6], s20  }
0x9f: {  	_ =	swait.ge [sflag:s22], s20  }
0xa0: {  	s5 =	ssub.s32 $0x0, s20;
	[sflag:s22] =	ssyncset.done $0x0  }
0xa1: {  	[sflag:s22] =	ssyncadd.s32 s5;
	_ =	sdelay $0x1  }
0xa2: {  	s23 =	simm.s32 $0x1B8B  }
0xa3: {  	_ =	swait.ge [sflag:s23], $0x1  }
0xa4: {  	[sflag:s23] =	ssyncset.done $0x0  }
0xa5: {  	s25 =	simm.s32 $0x1B8E;
	s24 =	sld [smem:$0x3FFE];
	[sflag:s23] =	ssyncadd.s32 $0xFFFFFFFF  }
0xa6: {  	s26 =	simm.s32 $execute0_lowered;
	[smem:$0x3FD2] =	sst s25  }
0xa7: {  	s6 =	sshll.u32 s26, $0x1;
	_ =	strace $0x80000046;
	[dreg:$0x1] =	wrdreg $0xFFFFFFFF  }
0xa8: {  	s28 =	simm.s32 $_size_execute0_lowered;
	s4 =	sadd.s32 s4, s6;
	[dreg:$0x0] =	wrdreg $0x0  }
0xa9: {  	s6 =	sshll.u32 s28, $0x1;
	[dreg:$0x2] =	wrdreg s4  }
0xaa: {  	[dreg:$0x3] =	wrdreg s6  }
0xab: {  	[dreg:$0x4] =	wrdreg $0xC0  }
0xac: {  	_ =	task [dreg:s8], $0x5FFFF  }
0xad: {  	[dreg:$0x1] =	wrdreg $0xFFFFFFFF  }
0xae: {  	[dreg:$0x0] =	wrdreg $0x60  }
0xaf: {  	[dreg:$0x2] =	wrdreg s18  }
0xb0: {  	[dreg:$0x3] =	wrdreg s2  }
0xb1: {  	[dreg:$0x4] =	wrdreg s24  }
0xb2: {  	[dreg:$0x5] =	wrdreg $0x9  }
0xb3: {  	_ =	task.clear_ibuf [dreg:s8], $0x6FFFF;
	_ =	strace $0x90000046  }
0xb4: {  	s29 =	simm.s32 $0x9;
	_ =	strace $0x80000048  }
0xb5: {  	_ =	swait.ge [sflag:s29], $0x1  }
0xb6: {  	[sflag:s29] =	ssyncadd.s32 $0xFFFFFFFF  }
0xb7: {  	_ =	strace $0x90000048  }
0xb8: {  	_ =	sfence  }
0xb9: {  	s30 =	sld [smem:$0x0];
	_ =	sdelay $0x2  }
0xba: {  	s31 =	sshll.u32 s1, $0xD;
	s1 =	sshrl.u32 s1, $0x2  }
0xbb: {  	s3 =	sand.u32 $0x4000, s31;
	s1 =	sadd.s32 s1, s30  }
0xbc: {  	s0 =	sor.u32 s3, s0;
	s1 =	sshll.u32 s1, $0x11  }
0xbd: {  	s0 =	sor.u32 s1, s0  }
0xbe: {  	s0 =	sadd.s32 $0x8F2B, s0  }
0xbf: {  	[sflag:s0] =	ssyncadd.remote.s32 $0x1  }
0xc0: {  	_ =	sfence.sel $0xFFFF  }
0xc1: {  	[dreg:$0x0] =	wrdreg $0xFFFFFFFF;
	(pc) =	sbr.abs _section_cstart, $3  }
0xc2: {  	[dreg:$0x1] =	wrdreg $0xFFFFFFFF  }
0xc3: {  	_ =	task.clear_ibuf [dreg:s8], $0x2FFFF;
	_ =	strace $0x9FFFFFFF  }
0xc4: {  	(tm) =	ssettm $0x7FFFFFFF  }
0xc5: {  	_ =	shalt  }
tec
execute0_lowered:
.L_overlay_start_1:
0x0: {  	(tag) =	ssettag $0x1  }
0x1: {  	s4 =	rddreg [dreg:$0x0]  }
0x2: {  	s0 =	stileid.u32;
	s2 =	rddreg [dreg:$0x1]  }
0x3: {  	s1 =	srdreg.scid;
	s6 =	rddreg [dreg:$0x2];
	s3 =	simm.s32 $0x0  }
0x4: {  	s10 =	simm.s32 $0x7D00;
	s11 =	simm.s32 $0xE100;
	s12 =	simm.s32 $0x1  }
0x5: {  	s13 =	simm.s32 $0x14500;
	s14 =	simm.s32 $0x2;
	s15 =	simm.s32 $0x5  }
0x6: {  	s16 =	simm.s32 $0x3;
	s17 =	simm.s32 $0x6;
	s18 =	simm.s32 $0x4  }
0x7: {  	s19 =	simm.s32 $0x7;
	s20 =	simm.s32 $0x8;
	s21 =	simm.s32 $0x0  }
0x8: {  	s5 =	sand.u32 $0x1, s1;
	s30 =	sshll.u32 s0, $0x1;
	s1 =	rddreg [dreg:$0x3]  }
0x9: {  	s7 =	smul.u32 $0x32000, s0;
	[smem:$0x7FF] =	sst s3;
	s8 =	sor.u32 s5, s30  }
0xa: {  	s9 =	ssub.s32 $0x2, s5;
	s5 =	smul.u32 $0x19000, s5;
	_ =	strace $0x80000047  }
0xb: {  	s8 =	smul.u32 $0x1900, s8;
	s6 =	sadd.s32 s7, s6;
	s31 =	sshrl.u32 s9, $0x1  }
0xc: {  	s7 =	ssub.s32 s9, s31;
	s6 =	sadd.s32 s5, s6;
	s9 =	simm.s32 $0x1900  }
0xd: {  	s8 =	sshrl.u32 s8, $0x3;
	s5 =	smax.u32 s7, $0x1;
	s6 =	sadd.s32 $0xA00, s6  }
0xe: {  	s7 =	simm.s32 $0x9;
	s4 =	sadd.s32 s4, s8;
	s8 =	simm.s32 $0xC8  }
.LBB2_1:
0xf: {  	[tilespmem:s3], [sflag:$0x9] =	stream.linear.gather [hbm4b:s4+s3], $0x1900, $0x38;
	[tilespmem:$0x1A900] =	vst v63  }
0x10: {  	_ =	swait.ge [sflag:s7], $0x1900  }
0x11: {  	[sflag:s7] =	ssyncset.done $0x0  }
0x12: {  	p0 =	por $0x1, $0x1;
	[sflag:s7] =	ssyncadd.s32 $0xFFFFE700  }
0x13: {  	[tilespmem:s9], [sflag:$0x1] =	stream.indirect.gather [hbm4b:s2+s8], $0x80, s3, s8, $0xb8;
	[tilespmem:$0x1A900] =	vst v63  }
0x14: {  	s22 =	simm.s32 @!p0 $0x7  }
0x15: {  	[tilespmem:s10], [sflag:$0x2] =	stream.indirect.gather [hbm4b:s2+s8], $0x80, s8, s8, $0xb8;
	[tilespmem:$0x1A900] =	vst v63  }
0x16: {  	_ =	swait.ge @!p0 [sflag:s22], $0x6400  }
0x17: {  	[sflag:s22] =	ssyncset.done @!p0 $0x0  }
0x18: {  	s28 =	simm.s32 $0x190;
	[sflag:s22] =	ssyncadd.s32 @!p0 $0xFFFF9C00  }
0x19: {  	[tilespmem:s11], [sflag:$0x3] =	stream.indirect.gather [hbm4b:s2+s8], $0x80, s28, s8, $0xb8;
	[tilespmem:$0x1A900] =	vst v63  }
0x1a: {  	_ =	swait.ge [sflag:s12], $0x6400  }
0x1b: {  	[sflag:s12] =	ssyncset.done $0x0  }
0x1c: {  	s22 =	simm.s32 @!p0 $0x8;
	[sflag:s12] =	ssyncadd.s32 $0xFFFF9C00  }
0x1d: {  	[hbm4b:s6+s3] =	stream.linear.scatter [tilespmem:s9], [sflag:$0x5], $0x6400, $0x38;
	[tilespmem:$0x1A900] =	vst v63  }
0x1e: {  	_ =	swait.ge @!p0 [sflag:s22], $0x6400  }
0x1f: {  	[sflag:s22] =	ssyncset.done @!p0 $0x0  }
0x20: {  	s29 =	simm.s32 $0x258;
	[sflag:s22] =	ssyncadd.s32 @!p0 $0xFFFF9C00  }
0x21: {  	[tilespmem:s13], [sflag:$0x4] =	stream.indirect.gather [hbm4b:s2+s8], $0x80, s29, s8, $0xb8;
	[tilespmem:$0x1A900] =	vst v63  }
0x22: {  	_ =	swait.ge [sflag:s14], $0x6400  }
0x23: {  	[sflag:s14] =	ssyncset.done $0x0  }
0x24: {  	s30 =	sadd.s32 $0xC80, s6;
	[sflag:s14] =	ssyncadd.s32 $0xFFFF9C00  }
0x25: {  	[hbm4b:s30+s3] =	stream.linear.scatter [tilespmem:s10], [sflag:$0x6], $0x6400, $0x38;
	[tilespmem:$0x1A900] =	vst v63  }
0x26: {  	p0 =	por $0x0, $0x0;
	_ =	swait.ge [sflag:s15], $0x6400  }
0x27: {  	s22 =	simm.s32 @!p0 $0x1900;
	[sflag:s15] =	ssyncset.done $0x0  }
0x28: {  	s23 =	simm.s32 @!p0 $0x320;
	s24 =	simm.s32 @!p0 $0xC8;
	[sflag:s15] =	ssyncadd.s32 $0xFFFF9C00  }
0x29: {  	[tilespmem:s22], [sflag:$0x1] =	stream.indirect.gather @!p0 [hbm4b:s2+s24], $0x80, s23, s24, $0xb8;
	[tilespmem:$0x1A900] =	vst v63  }
0x2a: {  	_ =	swait.ge [sflag:s16], $0x6400  }
0x2b: {  	[sflag:s16] =	ssyncset.done $0x0  }
0x2c: {  	s31 =	sadd.s32 $0x1900, s6;
	[sflag:s16] =	ssyncadd.s32 $0xFFFF9C00  }
0x2d: {  	[hbm4b:s31+s3] =	stream.linear.scatter [tilespmem:s11], [sflag:$0x7], $0x6400, $0x38;
	[tilespmem:$0x1A900] =	vst v63  }
0x2e: {  	_ =	swait.ge [sflag:s17], $0x6400  }
0x2f: {  	p1 =	por $0x0, $0x0;
	[sflag:s17] =	ssyncset.done $0x0  }
0x30: {  	s25 =	simm.s32 @!p0 $0x7D00;
	s22 =	simm.s32 @!p0 $0x3E8;
	[sflag:s17] =	ssyncadd.s32 $0xFFFF9C00  }
0x31: {  	[tilespmem:s25], [sflag:$0x2] =	stream.indirect.gather @!p0 [hbm4b:s2+s24], $0x80, s22, s24, $0xb8;
	[tilespmem:$0x1A900] =	vst v63  }
0x32: {  	s26 =	sadd.s32 $0x2580, s6;
	s23 =	simm.s32 $0xC80;
	_ =	swait.ge [sflag:s18], $0x6400  }
0x33: {  	s24 =	simm.s32 $0x1900;
	s22 =	sadd.s32 $0x3200, s6;
	[sflag:s18] =	ssyncset.done $0x0  }
.LBB2_2:
0x34: {  	s28 =	simm.s32 @!p1 $0x7;
	[sflag:s18] =	ssyncadd.s32 $0xFFFF9C00  }
0x35: {  	s29 =	smov.u32 s24;
	s24 =	sadd.s32 $0xC80, s24;
	s25 =	smov.u32 s22  }
0x36: {  	[hbm4b:s26+s3] =	stream.linear.scatter [tilespmem:s13], [sflag:$0x8], $0x6400, $0x38;
	[tilespmem:$0x1A900] =	vst v63  }
0x37: {  	p0 =	sne.s32 s24, $0x6400;
	_ =	swait.ge @!p1 [sflag:s28], $0x6400  }
0x38: {  	s26 =	sshra.s32 s23, $0x2;
	[sflag:s28] =	ssyncset.done @!p1 $0x0  }
0x39: {  	[sflag:s28] =	ssyncadd.s32 @!p1 $0xFFFF9C00;
	s28 =	sadd.s32 $0x190, s26  }
0x3a: {  	[tilespmem:s11], [sflag:$0x3] =	stream.indirect.gather [hbm4b:s2+s8], $0x80, s28, s8, $0xb8;
	[tilespmem:$0x1A900] =	vst v63  }
0x3b: {  	_ =	swait.ge [sflag:s12], $0x6400  }
0x3c: {  	[sflag:s12] =	ssyncset.done $0x0  }
0x3d: {  	s28 =	simm.s32 @!p1 $0x8;
	[sflag:s12] =	ssyncadd.s32 $0xFFFF9C00  }
0x3e: {  	[hbm4b:s22+s3] =	stream.linear.scatter [tilespmem:s9], [sflag:$0x5], $0x6400, $0x38;
	[tilespmem:$0x1A900] =	vst v63  }
0x3f: {  	_ =	swait.ge @!p1 [sflag:s28], $0x6400  }
0x40: {  	[sflag:s28] =	ssyncset.done @!p1 $0x0  }
0x41: {  	s26 =	sadd.s32 $0x258, s26;
	[sflag:s28] =	ssyncadd.s32 @!p1 $0xFFFF9C00  }
0x42: {  	[tilespmem:s13], [sflag:$0x4] =	stream.indirect.gather [hbm4b:s2+s8], $0x80, s26, s8, $0xb8;
	[tilespmem:$0x1A900] =	vst v63  }
0x43: {  	_ =	swait.ge [sflag:s14], $0x6400  }
0x44: {  	[sflag:s14] =	ssyncset.done $0x0  }
0x45: {  	s26 =	sadd.s32 $0xC80, s22;
	[sflag:s14] =	ssyncadd.s32 $0xFFFF9C00  }
0x46: {  	[hbm4b:s26+s3] =	stream.linear.scatter [tilespmem:s10], [sflag:$0x6], $0x6400, $0x38;
	[tilespmem:$0x1A900] =	vst v63  }
0x47: {  	p1 =	seq.s32 s23, $0x5780;
	_ =	swait.ge [sflag:s15], $0x6400  }
0x48: {  	s23 =	sshra.s32 @!p1 s23, $0x2;
	s26 =	simm.s32 @!p1 $0x1900;
	[sflag:s15] =	ssyncset.done $0x0  }
0x49: {  	s30 =	simm.s32 @!p1 $0xC8;
	s28 =	sadd.s32 @!p1 $0x320, s23;
	[sflag:s15] =	ssyncadd.s32 $0xFFFF9C00  }
0x4a: {  	[tilespmem:s26], [sflag:$0x1] =	stream.indirect.gather @!p1 [hbm4b:s2+s30], $0x80, s28, s30, $0xb8;
	[tilespmem:$0x1A900] =	vst v63  }
0x4b: {  	s26 =	sadd.s32 @!p1 $0x3E8, s23;
	s23 =	smov.u32 s29;
	_ =	swait.ge [sflag:s16], $0x6400  }
0x4c: {  	[sflag:s16] =	ssyncset.done $0x0  }
0x4d: {  	s28 =	sadd.s32 $0x1900, s22;
	[sflag:s16] =	ssyncadd.s32 $0xFFFF9C00  }
0x4e: {  	[hbm4b:s28+s3] =	stream.linear.scatter [tilespmem:s11], [sflag:$0x7], $0x6400, $0x38;
	[tilespmem:$0x1A900] =	vst v63  }
0x4f: {  	_ =	swait.ge [sflag:s17], $0x6400  }
.Ltmp0:
0x50: {  	[sflag:s17] =	ssyncset.done $0x0;
	(pc) =	sbr.rel @p0 .LBB2_2-.Ltmp0, $4  }
0x51: {  	s28 =	simm.s32 @!p1 $0x7D00;
	[sflag:s17] =	ssyncadd.s32 $0xFFFF9C00  }
0x52: {  	[tilespmem:s28], [sflag:$0x2] =	stream.indirect.gather @!p1 [hbm4b:s2+s30], $0x80, s26, s30, $0xb8;
	[tilespmem:$0x1A900] =	vst v63  }
0x53: {  	s22 =	sadd.s32 $0x3200, s22;
	_ =	swait.ge [sflag:s18], $0x6400  }
0x54: {  	p1 =	seq.s32 s23, $0x0;
	s26 =	sadd.s32 $0x2580, s25;
	[sflag:s18] =	ssyncset.done $0x0  }
0x55: {  	s24 =	simm.s32 @!p1 $0x7;
	[sflag:s18] =	ssyncadd.s32 $0xFFFF9C00  }
0x56: {  	[hbm4b:s26+s3] =	stream.linear.scatter [tilespmem:s13], [sflag:$0x8], $0x6400, $0x38;
	[tilespmem:$0x1A900] =	vst v63  }
0x57: {  	_ =	swait.ge @!p1 [sflag:s24], $0x6400  }
0x58: {  	s25 =	sshra.s32 s23, $0x2;
	[sflag:s24] =	ssyncset.done @!p1 $0x0  }
0x59: {  	s26 =	sadd.s32 $0x190, s25;
	[sflag:s24] =	ssyncadd.s32 @!p1 $0xFFFF9C00  }
0x5a: {  	[tilespmem:s11], [sflag:$0x3] =	stream.indirect.gather [hbm4b:s2+s8], $0x80, s26, s8, $0xb8;
	[tilespmem:$0x1A900] =	vst v63  }
0x5b: {  	_ =	swait.ge [sflag:s12], $0x6400  }
0x5c: {  	[sflag:s12] =	ssyncset.done $0x0  }
0x5d: {  	s24 =	simm.s32 @!p1 $0x8;
	[sflag:s12] =	ssyncadd.s32 $0xFFFF9C00  }
0x5e: {  	[hbm4b:s22+s3] =	stream.linear.scatter [tilespmem:s9], [sflag:$0x5], $0x6400, $0x38;
	[tilespmem:$0x1A900] =	vst v63  }
0x5f: {  	_ =	swait.ge @!p1 [sflag:s24], $0x6400  }
0x60: {  	[sflag:s24] =	ssyncset.done @!p1 $0x0  }
0x61: {  	s28 =	sadd.s32 $0x258, s25;
	[sflag:s24] =	ssyncadd.s32 @!p1 $0xFFFF9C00  }
0x62: {  	[tilespmem:s13], [sflag:$0x4] =	stream.indirect.gather [hbm4b:s2+s8], $0x80, s28, s8, $0xb8;
	[tilespmem:$0x1A900] =	vst v63  }
0x63: {  	_ =	swait.ge [sflag:s14], $0x6400  }
0x64: {  	[sflag:s14] =	ssyncset.done $0x0  }
0x65: {  	s29 =	sadd.s32 $0xC80, s22;
	p0 =	seq.s32 s23, $0x5780;
	[sflag:s14] =	ssyncadd.s32 $0xFFFF9C00  }
0x66: {  	[hbm4b:s29+s3] =	stream.linear.scatter [tilespmem:s10], [sflag:$0x6], $0x6400, $0x38;
	[tilespmem:$0x1A900] =	vst v63  }
0x67: {  	s23 =	sshra.s32 @!p0 s23, $0x2;
	_ =	swait.ge [sflag:s15], $0x6400  }
0x68: {  	s25 =	sadd.s32 @!p0 $0x320, s23;
	[sflag:s15] =	ssyncset.done $0x0  }
0x69: {  	s26 =	simm.s32 @!p0 $0xC8;
	s24 =	simm.s32 @!p0 $0x1900;
	[sflag:s15] =	ssyncadd.s32 $0xFFFF9C00  }
0x6a: {  	[tilespmem:s24], [sflag:$0x1] =	stream.indirect.gather @!p0 [hbm4b:s2+s26], $0x80, s25, s26, $0xb8;
	[tilespmem:$0x1A900] =	vst v63  }
0x6b: {  	_ =	swait.ge [sflag:s16], $0x6400  }
0x6c: {  	[sflag:s16] =	ssyncset.done $0x0  }
0x6d: {  	s30 =	sadd.s32 $0x1900, s22;
	[sflag:s16] =	ssyncadd.s32 $0xFFFF9C00  }
0x6e: {  	[hbm4b:s30+s3] =	stream.linear.scatter [tilespmem:s11], [sflag:$0x7], $0x6400, $0x38;
	[tilespmem:$0x1A900] =	vst v63  }
0x6f: {  	_ =	swait.ge [sflag:s17], $0x6400  }
0x70: {  	[sflag:s17] =	ssyncset.done $0x0  }
0x71: {  	s23 =	sadd.s32 @!p0 $0x3E8, s23;
	s24 =	simm.s32 @!p0 $0x7D00;
	[sflag:s17] =	ssyncadd.s32 $0xFFFF9C00  }
0x72: {  	[tilespmem:s24], [sflag:$0x2] =	stream.indirect.gather @!p0 [hbm4b:s2+s26], $0x80, s23, s26, $0xb8;
	[tilespmem:$0x1A900] =	vst v63  }
0x73: {  	_ =	swait.ge [sflag:s18], $0x6400  }
0x74: {  	[sflag:s18] =	ssyncset.done $0x0  }
0x75: {  	s31 =	sadd.s32 $0x2580, s22;
	s21 =	sadd.s32 $0x1, s21;
	[sflag:s18] =	ssyncadd.s32 $0xFFFF9C00  }
0x76: {  	[hbm4b:s31+s3] =	stream.linear.scatter [tilespmem:s13], [sflag:$0x8], $0x6400, $0x38;
	[tilespmem:$0x1A900] =	vst v63  }
0x77: {  	p0 =	sne.s32 s21, s5;
	_ =	swait.ge [sflag:s19], $0x6400  }
.Ltmp1:
0x78: {  	[sflag:s19] =	ssyncset.done $0x0;
	(pc) =	sbr.rel @p0 .LBB2_1-.Ltmp1, $4  }
0x79: {  	[sflag:s19] =	ssyncadd.s32 $0xFFFF9C00  }
0x7a: {  	_ =	swait.ge [sflag:s20], $0x6400  }
0x7b: {  	[sflag:s20] =	ssyncset.done $0x0  }
0x7c: {  	[sflag:s20] =	ssyncadd.s32 $0xFFFF9C00  }
0x7d: {  	_ =	sfence.sel $0x180000  }
0x7e: {  	[bflag:$0x0] =	sbarrier.arrive $0xFFFF  }
0x7f: {  	p0 =	sne.s32 s0, $0x0;
	_ =	strace $0x90000047  }
0x80: {  	s0 =	sadd.s32 @!p0 $0x100000, s1;
	[bflag:$0x2] =	sbarrier.arrive $0xFFFF  }
0x81: {  	[sflag:s0] =	ssyncadd.tile.s32 @!p0 $0x1;
	_ =	shalt  }
.Lfunc_end2:
_tile_overlayer_lowered:
.L_overlay_start_2:
0x82: {  	(tag) =	ssettag $0x2  }
0x83: {  	s0 =	rddreg [dreg:$0x0];
	s2 =	stileid.u32  }
0x84: {  	s1 =	rddreg [dreg:$0x1];
	p0 =	sne.s32 s2, $0x0  }
0x85: {  	s3 =	rddreg [dreg:$0x2];
	[bflag:$0x3] =	sbarrier.arrive $0xFFFF;
	s2 =	simm.s32 @!p0 $0x1C09  }
0x86: {  	[timem:s3], [sflag:s2] =	dma.local @!p0 [hbm:s0], s1  }
0x87: {  	s0 =	simm.s32 @!p0 $0x9  }
0x88: {  	_ =	swait.ge @!p0 [sflag:s0], s1  }
0x89: {  	s1 =	ssub.s32 @!p0 $0x0, s1;
	[sflag:s0] =	ssyncset.done @!p0 $0x0  }
0x8a: {  	[sflag:s0] =	ssyncadd.s32 @!p0 s1  }
0x8b: {  	[bflag:$0x3] =	sbarrier.arrive $0xFFFF  }
0x8c: {  	_ =	shalt  }

</sc_bundles>
